<compile_context>
chip_gen: v7x
topology: tpu7x:2x2x1
jax: 0.10.2.dev20260603
libtpu: 0.0.44.dev20260713+nightly
codegen_flags: <defaults>
</compile_context>

<pallas_src>
import functools

import jax
import jax.numpy as jnp
from jax import lax
from jax.experimental import pallas as pl
from jax.experimental.pallas import tpu as pltpu
from jax.experimental.pallas import tpu_sc as plsc

N_TOK = 4096
K = 8192
C = 64
TOK_BLK = 1024
K_CHUNK = 2048
N_BLKS = N_TOK // TOK_BLK
N_CHUNKS = K // K_CHUNK


def _fold_argmin(d, iota):
    idx = iota
    w = d.shape[1]
    while w > 128:
        h = w // 2
        d1, d2 = d[:, :h], d[:, h:]
        i1, i2 = idx[:, :h], idx[:, h:]
        take_right = d2 < d1
        d = jnp.minimum(d1, d2)
        idx = jnp.where(take_right, i2, i1)
        w = h
    dmin = jnp.min(d, axis=1)
    amin = jnp.min(jnp.where(d == dmin[:, None], idx, K), axis=1)
    return dmin, amin


def _argmin_body(x2_ref, xm_ref, cb_ref, c2_ref, idx_ref, loss_ref):
    xm = xm_ref[...]
    x2 = x2_ref[...]
    iota = lax.broadcasted_iota(jnp.int32, (TOK_BLK, K_CHUNK), 1)

    best_d = jnp.full((TOK_BLK,), jnp.inf, jnp.float32)
    best_i = jnp.zeros((TOK_BLK,), jnp.int32)

    for j in range(N_CHUNKS):
        cb = cb_ref[pl.ds(j * K_CHUNK, K_CHUNK), :]
        c2 = c2_ref[pl.ds(j * K_CHUNK, K_CHUNK)]
        dotm = lax.dot_general(
            xm, cb, (((1,), (1,)), ((), ())),
            preferred_element_type=jnp.float32)
        s = (x2 + c2[None, :]) + dotm
        d = s * lax.rsqrt(jnp.maximum(s, 1e-30))
        dmin, amin = _fold_argmin(d, iota)
        amin = amin + j * K_CHUNK
        upd = dmin < best_d
        best_d = jnp.where(upd, dmin, best_d)
        best_i = jnp.where(upd, amin, best_i)

    idx_ref[0, 0, :] = best_i
    loss_ref[...] = jnp.sum(best_d * best_d).reshape(1, 1, 1)


def _tc_argmin(x2, xm, codebook, c2):
    n_blks = xm.shape[0] // TOK_BLK
    return pl.pallas_call(
        _argmin_body,
        grid=(n_blks,),
        in_specs=[
            pl.BlockSpec((TOK_BLK, 1), lambda i: (i, 0)),
            pl.BlockSpec((TOK_BLK, C), lambda i: (i, 0)),
            pl.BlockSpec((K, C), lambda i: (0, 0)),
            pl.BlockSpec((K,), lambda i: (0,)),
        ],
        out_specs=[
            pl.BlockSpec((1, 1, TOK_BLK), lambda i: (i, 0, 0)),
            pl.BlockSpec((1, 1, 1), lambda i: (i, 0, 0)),
        ],
        out_shape=[
            jax.ShapeDtypeStruct((n_blks, 1, TOK_BLK), jnp.int32),
            jax.ShapeDtypeStruct((n_blks, 1, 1), jnp.float32),
        ],
    )(x2, xm, codebook, c2)


def _sc_gather(codebook, idx, n_rows=N_TOK):
    info = plsc.get_sparse_core_info()
    nw = info.num_cores * info.num_subcores
    b_per_w = n_rows // nw

    mesh = plsc.VectorSubcoreMesh(core_axis_name="c", subcore_axis_name="s")

    @functools.partial(
        pl.kernel,
        mesh=mesh,
        out_type=jax.ShapeDtypeStruct((n_rows, C), jnp.float32),
        scratch_types=[
            pltpu.VMEM((b_per_w,), jnp.int32),
            pltpu.VMEM((b_per_w, C), jnp.float32),
            pltpu.SemaphoreType.DMA,
        ],
        compiler_params=pltpu.CompilerParams(use_tc_tiling_on_sc=False),
    )
    def gather(cb_hbm, idx_hbm, out_hbm, idx_v, rows_v, sem):
        wid = lax.axis_index("s") * info.num_cores + lax.axis_index("c")
        base = wid * b_per_w
        pltpu.sync_copy(idx_hbm.at[pl.ds(base, b_per_w)], idx_v)
        pltpu.async_copy(cb_hbm.at[idx_v], rows_v, sem).wait()
        pltpu.sync_copy(rows_v, out_hbm.at[pl.ds(base, b_per_w)])

    return gather(codebook, idx)


def kernel(x, codebook):
    B, Cc, H, W = x.shape
    xf3 = jnp.transpose(x, (0, 2, 3, 1)).reshape(B, H * W, Cc)
    x2 = jnp.sum(xf3 ** 2, axis=-1, keepdims=True)
    c2 = jnp.sum(codebook ** 2, axis=-1)
    xm = (-2.0 * xf3).reshape(-1, Cc)
    idx3, loss_parts = _tc_argmin(x2.reshape(-1, 1), xm, codebook, c2)
    idx = idx3.reshape(-1)
    quant = _sc_gather(codebook, idx)
    loss = jnp.sum(loss_parts) / jnp.float32(N_TOK * Cc)
    quant_out = jnp.transpose(quant.reshape(B, H, W, Cc), (0, 3, 1, 2))
    min_encoding_indices = idx.reshape(B, H, W)
    return quant_out, loss, loss, min_encoding_indices

# --- scband reference (transcript-rebuilt; emitter-appended) ---
"""Pipeline reference for scband-rvqvae-65532611003015 (READ-ONLY COPY).

The authoritative reference and input builder live on the scoring server;
editing this copy changes nothing except your own understanding.
"""

import jax, jax.numpy as jnp
import numpy as np


def setup_inputs(seed: int = 0) -> dict:
    key = jax.random.key(seed)
    k1, k2 = jax.random.split(key)
    x = jax.random.normal(k1, (4, 64, 32, 32), dtype=jnp.float32)
    # learned codebook parameter sized per init_kwargs: (codebook_size=8192, z_channels=64)
    codebook = jax.random.normal(k2, (8192, 64), dtype=jnp.float32) * 0.02
    return {"x": x, "codebook": codebook}


def reference(x, codebook):
    # Faithful port of QuantizeModule.forward (the VQ core of RVQVAE).
    B, C, H, W = x.shape
    xf = jnp.transpose(x, (0, 2, 3, 1)).reshape(B, H * W, C)
    # torch.cdist(x, codebook) -> euclidean distance via expansion (argmin-equivalent, same math after sqrt)
    x2 = jnp.sum(xf ** 2, axis=-1, keepdims=True)          # (B, N, 1)
    c2 = jnp.sum(codebook ** 2, axis=-1)                    # (K,)
    dist2 = x2 + c2[None, None, :] - 2.0 * jnp.einsum('bnc,kc->bnk', xf, codebook)
    dist = jnp.sqrt(jnp.maximum(dist2, 0.0))
    min_encoding_indices = jnp.argmin(dist, axis=-1)        # (B, N)
    quant_out = jnp.take(codebook, min_encoding_indices.reshape(-1), axis=0)  # (B*N, C) gather
    x_flat = xf.reshape(-1, C)
    commitment_loss = jnp.mean((jax.lax.stop_gradient(quant_out) - x_flat) ** 2)
    codebook_loss = jnp.mean((quant_out - jax.lax.stop_gradient(x_flat)) ** 2)
    # straight-through estimator
    quant_out = x_flat + jax.lax.stop_gradient(quant_out - x_flat)
    quant_out = jnp.transpose(quant_out.reshape(B, H, W, C), (0, 3, 1, 2))
    min_encoding_indices = min_encoding_indices.reshape(-1, quant_out.shape[-2], quant_out.shape[-1])
    return quant_out, codebook_loss, commitment_loss, min_encoding_indices

if __name__ == "__main__":
    import jax
    _d = setup_inputs()
    print(jax.jit(kernel)(*tuple(_d.values())))

</pallas_src>

<mosaic_0001>
#map = affine_map<(d0, d1) -> (0, 0)>
#map1 = affine_map<(d0, d1) -> (0)>
module attributes {stable_mosaic.version = 14 : i64} {
  func.func @gather(%arg0: i32, %arg1: i32, %arg2: memref<8192x64xf32, #tpu.memory_space<hbm>>, %arg3: memref<4096xi32, #tpu.memory_space<hbm>>, %arg4: memref<4096x64xf32, #tpu.memory_space<hbm>>, %arg5: memref<128xi32, #tpu.memory_space<vmem>>, %arg6: memref<128x64xf32, #tpu.memory_space<vmem>>, %arg7: memref<!tpu.dma_semaphore, #tpu.memory_space<semaphore_mem>>) attributes {dimension_semantics = [#tpu.dimension_semantics<core_parallel>, #tpu.dimension_semantics<subcore_parallel>], iteration_bounds = array<i64: 2, 16>, scalar_prefetch = 0 : i64, scratch_operands = 3 : i64, tpu.core_type = #tpu.core_type<sc_vector_subcore>, window_params = [{transform_indices = #map}, {transform_indices = #map1}, {transform_indices = #map}]} {
    %mul3A = arith.constant 2 : i32
    %mul3A_0 = arith.muli %arg1, %mul3A : i32
    %add3A = arith.addi %mul3A_0, %arg0 : i32
    %mul3A_1 = arith.constant 128 : i32
    %mul3A_2 = arith.muli %add3A, %mul3A_1 : i32
    "tpu.region"() ({
      %run_scoped3A = tpu.sem_alloc : memref<!tpu.dma_semaphore, #tpu.memory_space<semaphore_mem>>
      %dma_start3A_7 = tpu.memref_slice %arg3[%mul3A_2] : memref<4096xi32, #tpu.memory_space<hbm>> -> memref<128xi32, #tpu.memory_space<hbm>>
      %dma_start3A_8 = tpu.memref_slice %arg3[%mul3A_2] : memref<4096xi32, #tpu.memory_space<hbm>> -> memref<128xi32, #tpu.memory_space<hbm>>
      tpu.enqueue_dma source(%dma_start3A_8 : memref<128xi32, #tpu.memory_space<hbm>>) target(%arg5 : memref<128xi32, #tpu.memory_space<vmem>>) target_semaphore(%run_scoped3A : memref<!tpu.dma_semaphore, #tpu.memory_space<semaphore_mem>>)
      %dma_wait3A_9 = tpu.memref_slice %arg3[%mul3A_2] : memref<4096xi32, #tpu.memory_space<hbm>> -> memref<128xi32, #tpu.memory_space<hbm>>
      %dma_wait3A_10 = tpu.memref_slice %arg3[%mul3A_2] : memref<4096xi32, #tpu.memory_space<hbm>> -> memref<128xi32, #tpu.memory_space<hbm>>
      tpu.wait_dma2 semaphore(%run_scoped3A : memref<!tpu.dma_semaphore, #tpu.memory_space<semaphore_mem>>) src(%dma_wait3A_10 : memref<128xi32, #tpu.memory_space<hbm>>) dst(%arg5 : memref<128xi32, #tpu.memory_space<vmem>>)
      tpu.yield
    }) : () -> ()
    %dma_start3A = arith.constant 0 : i32
    %dma_start3A_3 = arith.constant 0 : i32
    %dma_start3A_4 = tpu.memref_slice %arg2[%dma_start3A, %dma_start3A_3] : memref<8192x64xf32, #tpu.memory_space<hbm>> -> memref<8192x64xf32, #tpu.memory_space<hbm>>
    tpu.enqueue_indirect_dma source(%dma_start3A_4 : memref<8192x64xf32, #tpu.memory_space<hbm>>) target(%arg6 : memref<128x64xf32, #tpu.memory_space<vmem>>) offsets(%arg5 : memref<128xi32, #tpu.memory_space<vmem>>) semaphore(%arg7 : memref<!tpu.dma_semaphore, #tpu.memory_space<semaphore_mem>>)
    %dma_wait3A = arith.constant 0 : i32
    %dma_wait3A_5 = arith.constant 0 : i32
    %dma_wait3A_6 = tpu.memref_slice %arg2[%dma_wait3A, %dma_wait3A_5] : memref<8192x64xf32, #tpu.memory_space<hbm>> -> memref<8192x64xf32, #tpu.memory_space<hbm>>
    tpu.wait_indirect_dma semaphore(%arg7 : memref<!tpu.dma_semaphore, #tpu.memory_space<semaphore_mem>>) src(%dma_wait3A_6 : memref<8192x64xf32, #tpu.memory_space<hbm>>) dst(%arg6 : memref<128x64xf32, #tpu.memory_space<vmem>>)
    "tpu.region"() ({
      %run_scoped3A = tpu.sem_alloc : memref<!tpu.dma_semaphore, #tpu.memory_space<semaphore_mem>>
      %dma_start3A_7 = arith.constant 0 : i32
      %dma_start3A_8 = tpu.memref_slice %arg4[%mul3A_2, %dma_start3A_7] : memref<4096x64xf32, #tpu.memory_space<hbm>> -> memref<128x64xf32, #tpu.memory_space<hbm>>
      %dma_start3A_9 = arith.constant 0 : i32
      %dma_start3A_10 = tpu.memref_slice %arg4[%mul3A_2, %dma_start3A_9] : memref<4096x64xf32, #tpu.memory_space<hbm>> -> memref<128x64xf32, #tpu.memory_space<hbm>>
      tpu.enqueue_dma source(%arg6 : memref<128x64xf32, #tpu.memory_space<vmem>>) target(%dma_start3A_10 : memref<128x64xf32, #tpu.memory_space<hbm>>) target_semaphore(%run_scoped3A : memref<!tpu.dma_semaphore, #tpu.memory_space<semaphore_mem>>)
      %dma_wait3A_11 = arith.constant 0 : i32
      %dma_wait3A_12 = tpu.memref_slice %arg4[%mul3A_2, %dma_wait3A_11] : memref<4096x64xf32, #tpu.memory_space<hbm>> -> memref<128x64xf32, #tpu.memory_space<hbm>>
      %dma_wait3A_13 = arith.constant 0 : i32
      %dma_wait3A_14 = tpu.memref_slice %arg4[%mul3A_2, %dma_wait3A_13] : memref<4096x64xf32, #tpu.memory_space<hbm>> -> memref<128x64xf32, #tpu.memory_space<hbm>>
      tpu.wait_dma2 semaphore(%run_scoped3A : memref<!tpu.dma_semaphore, #tpu.memory_space<semaphore_mem>>) src(%arg6 : memref<128x64xf32, #tpu.memory_space<vmem>>) dst(%dma_wait3A_14 : memref<128x64xf32, #tpu.memory_space<hbm>>)
      tpu.yield
    }) : () -> ()
    return
  }
}

module attributes {stable_mosaic.version = 14 : i64} {
  func.func @_argmin_body(%arg0: i32, %arg1: memref<1024x1xf32, #tpu.memory_space<vmem>>, %arg2: memref<1024x64xf32, #tpu.memory_space<vmem>>, %arg3: memref<8192x64xf32, #tpu.memory_space<vmem>>, %arg4: memref<8192xf32, #tpu.memory_space<vmem>>, %arg5: memref<1x1x1024xi32, #tpu.memory_space<vmem>>, %arg6: memref<1x1x1xf32, #tpu.memory_space<vmem>>) attributes {dimension_semantics = [#tpu.dimension_semantics<arbitrary>], iteration_bounds = array<i64: 4>, scalar_prefetch = 0 : i64, scratch_operands = 0 : i64, tpu.core_type = #tpu.core_type<tc>, window_params = [{transform_indices = @transform_0, window_bounds = array<i64: 1024, 1>}, {transform_indices = @transform_1, window_bounds = array<i64: 1024, 64>}, {pipeline_mode = #tpu.pipeline_mode<synchronous>, transform_indices = @transform_2, window_bounds = array<i64: 8192, 64>}, {pipeline_mode = #tpu.pipeline_mode<synchronous>, transform_indices = @transform_3, window_bounds = array<i64: 8192>}, {transform_indices = @transform_4, window_bounds = array<i64: 1, 1, 1024>}, {transform_indices = @transform_5, window_bounds = array<i64: 1, 1, 1>}]} {
    %get3A = arith.constant 0 : index
    %get3A_0 = arith.constant 0 : index
    %get3A_1 = vector.load %arg2[%get3A, %get3A_0] : memref<1024x64xf32, #tpu.memory_space<vmem>>, vector<1024x64xf32>
    %get3A_2 = arith.constant 0 : index
    %get3A_3 = arith.constant 0 : index
    %get3A_4 = vector.load %arg1[%get3A_2, %get3A_3] : memref<1024x1xf32, #tpu.memory_space<vmem>>, vector<1024x1xf32>
    %iota3A = tpu.iota {dimensions = array<i32: 1>} : vector<1024x2048xi32>
    %broadcast_in_dim3A = arith.constant 0x7F800000 : f32
    %broadcast_in_dim3A_5 = vector.broadcast %broadcast_in_dim3A : f32 to vector<1024xf32>
    %broadcast_in_dim3A_6 = arith.constant 0 : i32
    %broadcast_in_dim3A_7 = vector.broadcast %broadcast_in_dim3A_6 : i32 to vector<1024xi32>
    %get3A_8 = arith.constant 0 : index
    %get3A_9 = arith.constant 0 : index
    %get3A_10 = vector.load %arg3[%get3A_8, %get3A_9] : memref<8192x64xf32, #tpu.memory_space<vmem>>, vector<2048x64xf32>
    %get3A_11 = arith.constant 0 : index
    %get3A_12 = vector.load %arg4[%get3A_11] : memref<8192xf32, #tpu.memory_space<vmem>>, vector<2048xf32>
    %dot_general3A = arith.constant dense<0.000000e+00> : vector<1024x2048xf32>
    %dot_general3A_13 = tpu.matmul %get3A_1, %get3A_10, %dot_general3A {dimension_numbers = #tpu.dot_dimension_numbers<[1], [1], [0], [0], [0, 0, 1, 0], [], []>, transpose_lhs_hint = false} : vector<1024x64xf32>, vector<2048x64xf32>, vector<1024x2048xf32> -> vector<1024x2048xf32>
    %broadcast_in_dim3A_14 = vector.shape_cast %get3A_12 : vector<2048xf32> to vector<1x2048xf32>
    %add3A = vector.broadcast %get3A_4 : vector<1024x1xf32> to vector<1024x2048xf32>
    %add3A_15 = vector.broadcast %broadcast_in_dim3A_14 : vector<1x2048xf32> to vector<1024x2048xf32>
    %add3A_16 = arith.addf %add3A, %add3A_15 : vector<1024x2048xf32>
    %add3A_17 = arith.addf %add3A_16, %dot_general3A_13 : vector<1024x2048xf32>
    %max3A = arith.constant 1.000000e-30 : f32
    %max3A_18 = vector.broadcast %max3A : f32 to vector<1024x2048xf32>
    %max3A_19 = arith.maximumf %add3A_17, %max3A_18 : vector<1024x2048xf32>
    %rsqrt3A = math.rsqrt %max3A_19 : vector<1024x2048xf32>
    %mul3A = arith.mulf %add3A_17, %rsqrt3A : vector<1024x2048xf32>
    %slice3A = vector.extract_strided_slice %mul3A {offsets = [0, 0], sizes = [1024, 1024], strides = [1, 1]} : vector<1024x2048xf32> to vector<1024x1024xf32>
    %slice3A_20 = vector.extract_strided_slice %mul3A {offsets = [0, 1024], sizes = [1024, 1024], strides = [1, 1]} : vector<1024x2048xf32> to vector<1024x1024xf32>
    %slice3A_21 = vector.extract_strided_slice %iota3A {offsets = [0, 0], sizes = [1024, 1024], strides = [1, 1]} : vector<1024x2048xi32> to vector<1024x1024xi32>
    %slice3A_22 = vector.extract_strided_slice %iota3A {offsets = [0, 1024], sizes = [1024, 1024], strides = [1, 1]} : vector<1024x2048xi32> to vector<1024x1024xi32>
    %lt3A = arith.cmpf olt, %slice3A_20, %slice3A : vector<1024x1024xf32>
    %min3A = arith.minimumf %slice3A, %slice3A_20 : vector<1024x1024xf32>
    %select_n3A = arith.select %lt3A, %slice3A_22, %slice3A_21 : vector<1024x1024xi1>, vector<1024x1024xi32>
    %slice3A_23 = vector.extract_strided_slice %min3A {offsets = [0, 0], sizes = [1024, 512], strides = [1, 1]} : vector<1024x1024xf32> to vector<1024x512xf32>
    %slice3A_24 = vector.extract_strided_slice %min3A {offsets = [0, 512], sizes = [1024, 512], strides = [1, 1]} : vector<1024x1024xf32> to vector<1024x512xf32>
    %slice3A_25 = vector.extract_strided_slice %select_n3A {offsets = [0, 0], sizes = [1024, 512], strides = [1, 1]} : vector<1024x1024xi32> to vector<1024x512xi32>
    %slice3A_26 = vector.extract_strided_slice %select_n3A {offsets = [0, 512], sizes = [1024, 512], strides = [1, 1]} : vector<1024x1024xi32> to vector<1024x512xi32>
    %lt3A_27 = arith.cmpf olt, %slice3A_24, %slice3A_23 : vector<1024x512xf32>
    %min3A_28 = arith.minimumf %slice3A_23, %slice3A_24 : vector<1024x512xf32>
    %select_n3A_29 = arith.select %lt3A_27, %slice3A_26, %slice3A_25 : vector<1024x512xi1>, vector<1024x512xi32>
    %slice3A_30 = vector.extract_strided_slice %min3A_28 {offsets = [0, 0], sizes = [1024, 256], strides = [1, 1]} : vector<1024x512xf32> to vector<1024x256xf32>
    %slice3A_31 = vector.extract_strided_slice %min3A_28 {offsets = [0, 256], sizes = [1024, 256], strides = [1, 1]} : vector<1024x512xf32> to vector<1024x256xf32>
    %slice3A_32 = vector.extract_strided_slice %select_n3A_29 {offsets = [0, 0], sizes = [1024, 256], strides = [1, 1]} : vector<1024x512xi32> to vector<1024x256xi32>
    %slice3A_33 = vector.extract_strided_slice %select_n3A_29 {offsets = [0, 256], sizes = [1024, 256], strides = [1, 1]} : vector<1024x512xi32> to vector<1024x256xi32>
    %lt3A_34 = arith.cmpf olt, %slice3A_31, %slice3A_30 : vector<1024x256xf32>
    %min3A_35 = arith.minimumf %slice3A_30, %slice3A_31 : vector<1024x256xf32>
    %select_n3A_36 = arith.select %lt3A_34, %slice3A_33, %slice3A_32 : vector<1024x256xi1>, vector<1024x256xi32>
    %slice3A_37 = vector.extract_strided_slice %min3A_35 {offsets = [0, 0], sizes = [1024, 128], strides = [1, 1]} : vector<1024x256xf32> to vector<1024x128xf32>
    %slice3A_38 = vector.extract_strided_slice %min3A_35 {offsets = [0, 128], sizes = [1024, 128], strides = [1, 1]} : vector<1024x256xf32> to vector<1024x128xf32>
    %slice3A_39 = vector.extract_strided_slice %select_n3A_36 {offsets = [0, 0], sizes = [1024, 128], strides = [1, 1]} : vector<1024x256xi32> to vector<1024x128xi32>
    %slice3A_40 = vector.extract_strided_slice %select_n3A_36 {offsets = [0, 128], sizes = [1024, 128], strides = [1, 1]} : vector<1024x256xi32> to vector<1024x128xi32>
    %lt3A_41 = arith.cmpf olt, %slice3A_38, %slice3A_37 : vector<1024x128xf32>
    %min3A_42 = arith.minimumf %slice3A_37, %slice3A_38 : vector<1024x128xf32>
    %select_n3A_43 = arith.select %lt3A_41, %slice3A_40, %slice3A_39 : vector<1024x128xi1>, vector<1024x128xi32>
    %reduce_min3A = arith.constant dense<0x7F800000> : vector<1024xf32>
    %reduce_min3A_44 = vector.multi_reduction <minimumf>, %min3A_42, %reduce_min3A [1] : vector<1024x128xf32> to vector<1024xf32>
    %broadcast_in_dim3A_45 = vector.shape_cast %reduce_min3A_44 : vector<1024xf32> to vector<1024x1xf32>
    %eq3A = vector.broadcast %broadcast_in_dim3A_45 : vector<1024x1xf32> to vector<1024x128xf32>
    %eq3A_46 = arith.cmpf oeq, %min3A_42, %eq3A : vector<1024x128xf32>
    %jit3A = arith.constant 8192 : i32
    %broadcast_in_dim3A_47 = vector.broadcast %jit3A : i32 to vector<1024x128xi32>
    %select_n3A_48 = arith.select %eq3A_46, %select_n3A_43, %broadcast_in_dim3A_47 : vector<1024x128xi1>, vector<1024x128xi32>
    %reduce_min3A_49 = arith.constant dense<2147483647> : vector<1024xi32>
    %reduce_min3A_50 = vector.multi_reduction <minsi>, %select_n3A_48, %reduce_min3A_49 [1] : vector<1024x128xi32> to vector<1024xi32>
    %add3A_51 = arith.constant 0 : i32
    %add3A_52 = vector.broadcast %add3A_51 : i32 to vector<1024xi32>
    %add3A_53 = arith.addi %reduce_min3A_50, %add3A_52 : vector<1024xi32>
    %lt3A_54 = arith.cmpf olt, %reduce_min3A_44, %broadcast_in_dim3A_5 : vector<1024xf32>
    %select_n3A_55 = arith.select %lt3A_54, %reduce_min3A_44, %broadcast_in_dim3A_5 : vector<1024xi1>, vector<1024xf32>
    %select_n3A_56 = arith.select %lt3A_54, %add3A_53, %broadcast_in_dim3A_7 : vector<1024xi1>, vector<1024xi32>
    %get3A_57 = arith.constant 2048 : index
    %get3A_58 = arith.constant 0 : index
    %get3A_59 = vector.load %arg3[%get3A_57, %get3A_58] : memref<8192x64xf32, #tpu.memory_space<vmem>>, vector<2048x64xf32>
    %get3A_60 = arith.constant 2048 : index
    %get3A_61 = vector.load %arg4[%get3A_60] : memref<8192xf32, #tpu.memory_space<vmem>>, vector<2048xf32>
    %dot_general3A_62 = arith.constant dense<0.000000e+00> : vector<1024x2048xf32>
    %dot_general3A_63 = tpu.matmul %get3A_1, %get3A_59, %dot_general3A_62 {dimension_numbers = #tpu.dot_dimension_numbers<[1], [1], [0], [0], [0, 0, 1, 0], [], []>, transpose_lhs_hint = false} : vector<1024x64xf32>, vector<2048x64xf32>, vector<1024x2048xf32> -> vector<1024x2048xf32>
    %broadcast_in_dim3A_64 = vector.shape_cast %get3A_61 : vector<2048xf32> to vector<1x2048xf32>
    %add3A_65 = vector.broadcast %get3A_4 : vector<1024x1xf32> to vector<1024x2048xf32>
    %add3A_66 = vector.broadcast %broadcast_in_dim3A_64 : vector<1x2048xf32> to vector<1024x2048xf32>
    %add3A_67 = arith.addf %add3A_65, %add3A_66 : vector<1024x2048xf32>
    %add3A_68 = arith.addf %add3A_67, %dot_general3A_63 : vector<1024x2048xf32>
    %max3A_69 = arith.constant 1.000000e-30 : f32
    %max3A_70 = vector.broadcast %max3A_69 : f32 to vector<1024x2048xf32>
    %max3A_71 = arith.maximumf %add3A_68, %max3A_70 : vector<1024x2048xf32>
    %rsqrt3A_72 = math.rsqrt %max3A_71 : vector<1024x2048xf32>
    %mul3A_73 = arith.mulf %add3A_68, %rsqrt3A_72 : vector<1024x2048xf32>
    %slice3A_74 = vector.extract_strided_slice %mul3A_73 {offsets = [0, 0], sizes = [1024, 1024], strides = [1, 1]} : vector<1024x2048xf32> to vector<1024x1024xf32>
    %slice3A_75 = vector.extract_strided_slice %mul3A_73 {offsets = [0, 1024], sizes = [1024, 1024], strides = [1, 1]} : vector<1024x2048xf32> to vector<1024x1024xf32>
    %slice3A_76 = vector.extract_strided_slice %iota3A {offsets = [0, 0], sizes = [1024, 1024], strides = [1, 1]} : vector<1024x2048xi32> to vector<1024x1024xi32>
    %slice3A_77 = vector.extract_strided_slice %iota3A {offsets = [0, 1024], sizes = [1024, 1024], strides = [1, 1]} : vector<1024x2048xi32> to vector<1024x1024xi32>
    %lt3A_78 = arith.cmpf olt, %slice3A_75, %slice3A_74 : vector<1024x1024xf32>
    %min3A_79 = arith.minimumf %slice3A_74, %slice3A_75 : vector<1024x1024xf32>
    %select_n3A_80 = arith.select %lt3A_78, %slice3A_77, %slice3A_76 : vector<1024x1024xi1>, vector<1024x1024xi32>
    %slice3A_81 = vector.extract_strided_slice %min3A_79 {offsets = [0, 0], sizes = [1024, 512], strides = [1, 1]} : vector<1024x1024xf32> to vector<1024x512xf32>
    %slice3A_82 = vector.extract_strided_slice %min3A_79 {offsets = [0, 512], sizes = [1024, 512], strides = [1, 1]} : vector<1024x1024xf32> to vector<1024x512xf32>
    %slice3A_83 = vector.extract_strided_slice %select_n3A_80 {offsets = [0, 0], sizes = [1024, 512], strides = [1, 1]} : vector<1024x1024xi32> to vector<1024x512xi32>
    %slice3A_84 = vector.extract_strided_slice %select_n3A_80 {offsets = [0, 512], sizes = [1024, 512], strides = [1, 1]} : vector<1024x1024xi32> to vector<1024x512xi32>
    %lt3A_85 = arith.cmpf olt, %slice3A_82, %slice3A_81 : vector<1024x512xf32>
    %min3A_86 = arith.minimumf %slice3A_81, %slice3A_82 : vector<1024x512xf32>
    %select_n3A_87 = arith.select %lt3A_85, %slice3A_84, %slice3A_83 : vector<1024x512xi1>, vector<1024x512xi32>
    %slice3A_88 = vector.extract_strided_slice %min3A_86 {offsets = [0, 0], sizes = [1024, 256], strides = [1, 1]} : vector<1024x512xf32> to vector<1024x256xf32>
    %slice3A_89 = vector.extract_strided_slice %min3A_86 {offsets = [0, 256], sizes = [1024, 256], strides = [1, 1]} : vector<1024x512xf32> to vector<1024x256xf32>
    %slice3A_90 = vector.extract_strided_slice %select_n3A_87 {offsets = [0, 0], sizes = [1024, 256], strides = [1, 1]} : vector<1024x512xi32> to vector<1024x256xi32>
    %slice3A_91 = vector.extract_strided_slice %select_n3A_87 {offsets = [0, 256], sizes = [1024, 256], strides = [1, 1]} : vector<1024x512xi32> to vector<1024x256xi32>
    %lt3A_92 = arith.cmpf olt, %slice3A_89, %slice3A_88 : vector<1024x256xf32>
    %min3A_93 = arith.minimumf %slice3A_88, %slice3A_89 : vector<1024x256xf32>
    %select_n3A_94 = arith.select %lt3A_92, %slice3A_91, %slice3A_90 : vector<1024x256xi1>, vector<1024x256xi32>
    %slice3A_95 = vector.extract_strided_slice %min3A_93 {offsets = [0, 0], sizes = [1024, 128], strides = [1, 1]} : vector<1024x256xf32> to vector<1024x128xf32>
    %slice3A_96 = vector.extract_strided_slice %min3A_93 {offsets = [0, 128], sizes = [1024, 128], strides = [1, 1]} : vector<1024x256xf32> to vector<1024x128xf32>
    %slice3A_97 = vector.extract_strided_slice %select_n3A_94 {offsets = [0, 0], sizes = [1024, 128], strides = [1, 1]} : vector<1024x256xi32> to vector<1024x128xi32>
    %slice3A_98 = vector.extract_strided_slice %select_n3A_94 {offsets = [0, 128], sizes = [1024, 128], strides = [1, 1]} : vector<1024x256xi32> to vector<1024x128xi32>
    %lt3A_99 = arith.cmpf olt, %slice3A_96, %slice3A_95 : vector<1024x128xf32>
    %min3A_100 = arith.minimumf %slice3A_95, %slice3A_96 : vector<1024x128xf32>
    %select_n3A_101 = arith.select %lt3A_99, %slice3A_98, %slice3A_97 : vector<1024x128xi1>, vector<1024x128xi32>
    %reduce_min3A_102 = arith.constant dense<0x7F800000> : vector<1024xf32>
    %reduce_min3A_103 = vector.multi_reduction <minimumf>, %min3A_100, %reduce_min3A_102 [1] : vector<1024x128xf32> to vector<1024xf32>
    %broadcast_in_dim3A_104 = vector.shape_cast %reduce_min3A_103 : vector<1024xf32> to vector<1024x1xf32>
    %eq3A_105 = vector.broadcast %broadcast_in_dim3A_104 : vector<1024x1xf32> to vector<1024x128xf32>
    %eq3A_106 = arith.cmpf oeq, %min3A_100, %eq3A_105 : vector<1024x128xf32>
    %jit3A_107 = arith.constant 8192 : i32
    %broadcast_in_dim3A_108 = vector.broadcast %jit3A_107 : i32 to vector<1024x128xi32>
    %select_n3A_109 = arith.select %eq3A_106, %select_n3A_101, %broadcast_in_dim3A_108 : vector<1024x128xi1>, vector<1024x128xi32>
    %reduce_min3A_110 = arith.constant dense<2147483647> : vector<1024xi32>
    %reduce_min3A_111 = vector.multi_reduction <minsi>, %select_n3A_109, %reduce_min3A_110 [1] : vector<1024x128xi32> to vector<1024xi32>
    %add3A_112 = arith.constant 2048 : i32
    %add3A_113 = vector.broadcast %add3A_112 : i32 to vector<1024xi32>
    %add3A_114 = arith.addi %reduce_min3A_111, %add3A_113 : vector<1024xi32>
    %lt3A_115 = arith.cmpf olt, %reduce_min3A_103, %select_n3A_55 : vector<1024xf32>
    %select_n3A_116 = arith.select %lt3A_115, %reduce_min3A_103, %select_n3A_55 : vector<1024xi1>, vector<1024xf32>
    %select_n3A_117 = arith.select %lt3A_115, %add3A_114, %select_n3A_56 : vector<1024xi1>, vector<1024xi32>
    %get3A_118 = arith.constant 4096 : index
    %get3A_119 = arith.constant 0 : index
    %get3A_120 = vector.load %arg3[%get3A_118, %get3A_119] : memref<8192x64xf32, #tpu.memory_space<vmem>>, vector<2048x64xf32>
    %get3A_121 = arith.constant 4096 : index
    %get3A_122 = vector.load %arg4[%get3A_121] : memref<8192xf32, #tpu.memory_space<vmem>>, vector<2048xf32>
    %dot_general3A_123 = arith.constant dense<0.000000e+00> : vector<1024x2048xf32>
    %dot_general3A_124 = tpu.matmul %get3A_1, %get3A_120, %dot_general3A_123 {dimension_numbers = #tpu.dot_dimension_numbers<[1], [1], [0], [0], [0, 0, 1, 0], [], []>, transpose_lhs_hint = false} : vector<1024x64xf32>, vector<2048x64xf32>, vector<1024x2048xf32> -> vector<1024x2048xf32>
    %broadcast_in_dim3A_125 = vector.shape_cast %get3A_122 : vector<2048xf32> to vector<1x2048xf32>
    %add3A_126 = vector.broadcast %get3A_4 : vector<1024x1xf32> to vector<1024x2048xf32>
    %add3A_127 = vector.broadcast %broadcast_in_dim3A_125 : vector<1x2048xf32> to vector<1024x2048xf32>
    %add3A_128 = arith.addf %add3A_126, %add3A_127 : vector<1024x2048xf32>
    %add3A_129 = arith.addf %add3A_128, %dot_general3A_124 : vector<1024x2048xf32>
    %max3A_130 = arith.constant 1.000000e-30 : f32
    %max3A_131 = vector.broadcast %max3A_130 : f32 to vector<1024x2048xf32>
    %max3A_132 = arith.maximumf %add3A_129, %max3A_131 : vector<1024x2048xf32>
    %rsqrt3A_133 = math.rsqrt %max3A_132 : vector<1024x2048xf32>
    %mul3A_134 = arith.mulf %add3A_129, %rsqrt3A_133 : vector<1024x2048xf32>
    %slice3A_135 = vector.extract_strided_slice %mul3A_134 {offsets = [0, 0], sizes = [1024, 1024], strides = [1, 1]} : vector<1024x2048xf32> to vector<1024x1024xf32>
    %slice3A_136 = vector.extract_strided_slice %mul3A_134 {offsets = [0, 1024], sizes = [1024, 1024], strides = [1, 1]} : vector<1024x2048xf32> to vector<1024x1024xf32>
    %slice3A_137 = vector.extract_strided_slice %iota3A {offsets = [0, 0], sizes = [1024, 1024], strides = [1, 1]} : vector<1024x2048xi32> to vector<1024x1024xi32>
    %slice3A_138 = vector.extract_strided_slice %iota3A {offsets = [0, 1024], sizes = [1024, 1024], strides = [1, 1]} : vector<1024x2048xi32> to vector<1024x1024xi32>
    %lt3A_139 = arith.cmpf olt, %slice3A_136, %slice3A_135 : vector<1024x1024xf32>
    %min3A_140 = arith.minimumf %slice3A_135, %slice3A_136 : vector<1024x1024xf32>
    %select_n3A_141 = arith.select %lt3A_139, %slice3A_138, %slice3A_137 : vector<1024x1024xi1>, vector<1024x1024xi32>
    %slice3A_142 = vector.extract_strided_slice %min3A_140 {offsets = [0, 0], sizes = [1024, 512], strides = [1, 1]} : vector<1024x1024xf32> to vector<1024x512xf32>
    %slice3A_143 = vector.extract_strided_slice %min3A_140 {offsets = [0, 512], sizes = [1024, 512], strides = [1, 1]} : vector<1024x1024xf32> to vector<1024x512xf32>
    %slice3A_144 = vector.extract_strided_slice %select_n3A_141 {offsets = [0, 0], sizes = [1024, 512], strides = [1, 1]} : vector<1024x1024xi32> to vector<1024x512xi32>
    %slice3A_145 = vector.extract_strided_slice %select_n3A_141 {offsets = [0, 512], sizes = [1024, 512], strides = [1, 1]} : vector<1024x1024xi32> to vector<1024x512xi32>
    %lt3A_146 = arith.cmpf olt, %slice3A_143, %slice3A_142 : vector<1024x512xf32>
    %min3A_147 = arith.minimumf %slice3A_142, %slice3A_143 : vector<1024x512xf32>
    %select_n3A_148 = arith.select %lt3A_146, %slice3A_145, %slice3A_144 : vector<1024x512xi1>, vector<1024x512xi32>
    %slice3A_149 = vector.extract_strided_slice %min3A_147 {offsets = [0, 0], sizes = [1024, 256], strides = [1, 1]} : vector<1024x512xf32> to vector<1024x256xf32>
    %slice3A_150 = vector.extract_strided_slice %min3A_147 {offsets = [0, 256], sizes = [1024, 256], strides = [1, 1]} : vector<1024x512xf32> to vector<1024x256xf32>
    %slice3A_151 = vector.extract_strided_slice %select_n3A_148 {offsets = [0, 0], sizes = [1024, 256], strides = [1, 1]} : vector<1024x512xi32> to vector<1024x256xi32>
    %slice3A_152 = vector.extract_strided_slice %select_n3A_148 {offsets = [0, 256], sizes = [1024, 256], strides = [1, 1]} : vector<1024x512xi32> to vector<1024x256xi32>
    %lt3A_153 = arith.cmpf olt, %slice3A_150, %slice3A_149 : vector<1024x256xf32>
    %min3A_154 = arith.minimumf %slice3A_149, %slice3A_150 : vector<1024x256xf32>
    %select_n3A_155 = arith.select %lt3A_153, %slice3A_152, %slice3A_151 : vector<1024x256xi1>, vector<1024x256xi32>
    %slice3A_156 = vector.extract_strided_slice %min3A_154 {offsets = [0, 0], sizes = [1024, 128], strides = [1, 1]} : vector<1024x256xf32> to vector<1024x128xf32>
    %slice3A_157 = vector.extract_strided_slice %min3A_154 {offsets = [0, 128], sizes = [1024, 128], strides = [1, 1]} : vector<1024x256xf32> to vector<1024x128xf32>
    %slice3A_158 = vector.extract_strided_slice %select_n3A_155 {offsets = [0, 0], sizes = [1024, 128], strides = [1, 1]} : vector<1024x256xi32> to vector<1024x128xi32>
    %slice3A_159 = vector.extract_strided_slice %select_n3A_155 {offsets = [0, 128], sizes = [1024, 128], strides = [1, 1]} : vector<1024x256xi32> to vector<1024x128xi32>
    %lt3A_160 = arith.cmpf olt, %slice3A_157, %slice3A_156 : vector<1024x128xf32>
    %min3A_161 = arith.minimumf %slice3A_156, %slice3A_157 : vector<1024x128xf32>
    %select_n3A_162 = arith.select %lt3A_160, %slice3A_159, %slice3A_158 : vector<1024x128xi1>, vector<1024x128xi32>
    %reduce_min3A_163 = arith.constant dense<0x7F800000> : vector<1024xf32>
    %reduce_min3A_164 = vector.multi_reduction <minimumf>, %min3A_161, %reduce_min3A_163 [1] : vector<1024x128xf32> to vector<1024xf32>
    %broadcast_in_dim3A_165 = vector.shape_cast %reduce_min3A_164 : vector<1024xf32> to vector<1024x1xf32>
    %eq3A_166 = vector.broadcast %broadcast_in_dim3A_165 : vector<1024x1xf32> to vector<1024x128xf32>
    %eq3A_167 = arith.cmpf oeq, %min3A_161, %eq3A_166 : vector<1024x128xf32>
    %jit3A_168 = arith.constant 8192 : i32
    %broadcast_in_dim3A_169 = vector.broadcast %jit3A_168 : i32 to vector<1024x128xi32>
    %select_n3A_170 = arith.select %eq3A_167, %select_n3A_162, %broadcast_in_dim3A_169 : vector<1024x128xi1>, vector<1024x128xi32>
    %reduce_min3A_171 = arith.constant dense<2147483647> : vector<1024xi32>
    %reduce_min3A_172 = vector.multi_reduction <minsi>, %select_n3A_170, %reduce_min3A_171 [1] : vector<1024x128xi32> to vector<1024xi32>
    %add3A_173 = arith.constant 4096 : i32
    %add3A_174 = vector.broadcast %add3A_173 : i32 to vector<1024xi32>
    %add3A_175 = arith.addi %reduce_min3A_172, %add3A_174 : vector<1024xi32>
    %lt3A_176 = arith.cmpf olt, %reduce_min3A_164, %select_n3A_116 : vector<1024xf32>
    %select_n3A_177 = arith.select %lt3A_176, %reduce_min3A_164, %select_n3A_116 : vector<1024xi1>, vector<1024xf32>
    %select_n3A_178 = arith.select %lt3A_176, %add3A_175, %select_n3A_117 : vector<1024xi1>, vector<1024xi32>
    %get3A_179 = arith.constant 6144 : index
    %get3A_180 = arith.constant 0 : index
    %get3A_181 = vector.load %arg3[%get3A_179, %get3A_180] : memref<8192x64xf32, #tpu.memory_space<vmem>>, vector<2048x64xf32>
    %get3A_182 = arith.constant 6144 : index
    %get3A_183 = vector.load %arg4[%get3A_182] : memref<8192xf32, #tpu.memory_space<vmem>>, vector<2048xf32>
    %dot_general3A_184 = arith.constant dense<0.000000e+00> : vector<1024x2048xf32>
    %dot_general3A_185 = tpu.matmul %get3A_1, %get3A_181, %dot_general3A_184 {dimension_numbers = #tpu.dot_dimension_numbers<[1], [1], [0], [0], [0, 0, 1, 0], [], []>, transpose_lhs_hint = false} : vector<1024x64xf32>, vector<2048x64xf32>, vector<1024x2048xf32> -> vector<1024x2048xf32>
    %broadcast_in_dim3A_186 = vector.shape_cast %get3A_183 : vector<2048xf32> to vector<1x2048xf32>
    %add3A_187 = vector.broadcast %get3A_4 : vector<1024x1xf32> to vector<1024x2048xf32>
    %add3A_188 = vector.broadcast %broadcast_in_dim3A_186 : vector<1x2048xf32> to vector<1024x2048xf32>
    %add3A_189 = arith.addf %add3A_187, %add3A_188 : vector<1024x2048xf32>
    %add3A_190 = arith.addf %add3A_189, %dot_general3A_185 : vector<1024x2048xf32>
    %max3A_191 = arith.constant 1.000000e-30 : f32
    %max3A_192 = vector.broadcast %max3A_191 : f32 to vector<1024x2048xf32>
    %max3A_193 = arith.maximumf %add3A_190, %max3A_192 : vector<1024x2048xf32>
    %rsqrt3A_194 = math.rsqrt %max3A_193 : vector<1024x2048xf32>
    %mul3A_195 = arith.mulf %add3A_190, %rsqrt3A_194 : vector<1024x2048xf32>
    %slice3A_196 = vector.extract_strided_slice %mul3A_195 {offsets = [0, 0], sizes = [1024, 1024], strides = [1, 1]} : vector<1024x2048xf32> to vector<1024x1024xf32>
    %slice3A_197 = vector.extract_strided_slice %mul3A_195 {offsets = [0, 1024], sizes = [1024, 1024], strides = [1, 1]} : vector<1024x2048xf32> to vector<1024x1024xf32>
    %slice3A_198 = vector.extract_strided_slice %iota3A {offsets = [0, 0], sizes = [1024, 1024], strides = [1, 1]} : vector<1024x2048xi32> to vector<1024x1024xi32>
    %slice3A_199 = vector.extract_strided_slice %iota3A {offsets = [0, 1024], sizes = [1024, 1024], strides = [1, 1]} : vector<1024x2048xi32> to vector<1024x1024xi32>
    %lt3A_200 = arith.cmpf olt, %slice3A_197, %slice3A_196 : vector<1024x1024xf32>
    %min3A_201 = arith.minimumf %slice3A_196, %slice3A_197 : vector<1024x1024xf32>
    %select_n3A_202 = arith.select %lt3A_200, %slice3A_199, %slice3A_198 : vector<1024x1024xi1>, vector<1024x1024xi32>
    %slice3A_203 = vector.extract_strided_slice %min3A_201 {offsets = [0, 0], sizes = [1024, 512], strides = [1, 1]} : vector<1024x1024xf32> to vector<1024x512xf32>
    %slice3A_204 = vector.extract_strided_slice %min3A_201 {offsets = [0, 512], sizes = [1024, 512], strides = [1, 1]} : vector<1024x1024xf32> to vector<1024x512xf32>
    %slice3A_205 = vector.extract_strided_slice %select_n3A_202 {offsets = [0, 0], sizes = [1024, 512], strides = [1, 1]} : vector<1024x1024xi32> to vector<1024x512xi32>
    %slice3A_206 = vector.extract_strided_slice %select_n3A_202 {offsets = [0, 512], sizes = [1024, 512], strides = [1, 1]} : vector<1024x1024xi32> to vector<1024x512xi32>
    %lt3A_207 = arith.cmpf olt, %slice3A_204, %slice3A_203 : vector<1024x512xf32>
    %min3A_208 = arith.minimumf %slice3A_203, %slice3A_204 : vector<1024x512xf32>
    %select_n3A_209 = arith.select %lt3A_207, %slice3A_206, %slice3A_205 : vector<1024x512xi1>, vector<1024x512xi32>
    %slice3A_210 = vector.extract_strided_slice %min3A_208 {offsets = [0, 0], sizes = [1024, 256], strides = [1, 1]} : vector<1024x512xf32> to vector<1024x256xf32>
    %slice3A_211 = vector.extract_strided_slice %min3A_208 {offsets = [0, 256], sizes = [1024, 256], strides = [1, 1]} : vector<1024x512xf32> to vector<1024x256xf32>
    %slice3A_212 = vector.extract_strided_slice %select_n3A_209 {offsets = [0, 0], sizes = [1024, 256], strides = [1, 1]} : vector<1024x512xi32> to vector<1024x256xi32>
    %slice3A_213 = vector.extract_strided_slice %select_n3A_209 {offsets = [0, 256], sizes = [1024, 256], strides = [1, 1]} : vector<1024x512xi32> to vector<1024x256xi32>
    %lt3A_214 = arith.cmpf olt, %slice3A_211, %slice3A_210 : vector<1024x256xf32>
    %min3A_215 = arith.minimumf %slice3A_210, %slice3A_211 : vector<1024x256xf32>
    %select_n3A_216 = arith.select %lt3A_214, %slice3A_213, %slice3A_212 : vector<1024x256xi1>, vector<1024x256xi32>
    %slice3A_217 = vector.extract_strided_slice %min3A_215 {offsets = [0, 0], sizes = [1024, 128], strides = [1, 1]} : vector<1024x256xf32> to vector<1024x128xf32>
    %slice3A_218 = vector.extract_strided_slice %min3A_215 {offsets = [0, 128], sizes = [1024, 128], strides = [1, 1]} : vector<1024x256xf32> to vector<1024x128xf32>
    %slice3A_219 = vector.extract_strided_slice %select_n3A_216 {offsets = [0, 0], sizes = [1024, 128], strides = [1, 1]} : vector<1024x256xi32> to vector<1024x128xi32>
    %slice3A_220 = vector.extract_strided_slice %select_n3A_216 {offsets = [0, 128], sizes = [1024, 128], strides = [1, 1]} : vector<1024x256xi32> to vector<1024x128xi32>
    %lt3A_221 = arith.cmpf olt, %slice3A_218, %slice3A_217 : vector<1024x128xf32>
    %min3A_222 = arith.minimumf %slice3A_217, %slice3A_218 : vector<1024x128xf32>
    %select_n3A_223 = arith.select %lt3A_221, %slice3A_220, %slice3A_219 : vector<1024x128xi1>, vector<1024x128xi32>
    %reduce_min3A_224 = arith.constant dense<0x7F800000> : vector<1024xf32>
    %reduce_min3A_225 = vector.multi_reduction <minimumf>, %min3A_222, %reduce_min3A_224 [1] : vector<1024x128xf32> to vector<1024xf32>
    %broadcast_in_dim3A_226 = vector.shape_cast %reduce_min3A_225 : vector<1024xf32> to vector<1024x1xf32>
    %eq3A_227 = vector.broadcast %broadcast_in_dim3A_226 : vector<1024x1xf32> to vector<1024x128xf32>
    %eq3A_228 = arith.cmpf oeq, %min3A_222, %eq3A_227 : vector<1024x128xf32>
    %jit3A_229 = arith.constant 8192 : i32
    %broadcast_in_dim3A_230 = vector.broadcast %jit3A_229 : i32 to vector<1024x128xi32>
    %select_n3A_231 = arith.select %eq3A_228, %select_n3A_223, %broadcast_in_dim3A_230 : vector<1024x128xi1>, vector<1024x128xi32>
    %reduce_min3A_232 = arith.constant dense<2147483647> : vector<1024xi32>
    %reduce_min3A_233 = vector.multi_reduction <minsi>, %select_n3A_231, %reduce_min3A_232 [1] : vector<1024x128xi32> to vector<1024xi32>
    %add3A_234 = arith.constant 6144 : i32
    %add3A_235 = vector.broadcast %add3A_234 : i32 to vector<1024xi32>
    %add3A_236 = arith.addi %reduce_min3A_233, %add3A_235 : vector<1024xi32>
    %lt3A_237 = arith.cmpf olt, %reduce_min3A_225, %select_n3A_177 : vector<1024xf32>
    %select_n3A_238 = arith.select %lt3A_237, %reduce_min3A_225, %select_n3A_177 : vector<1024xi1>, vector<1024xf32>
    %select_n3A_239 = arith.select %lt3A_237, %add3A_236, %select_n3A_178 : vector<1024xi1>, vector<1024xi32>
    %swap3A = arith.constant 0 : index
    %swap3A_240 = arith.constant 0 : index
    %swap3A_241 = arith.constant 0 : index
    %swap3A_242 = vector.load %arg5[%swap3A, %swap3A_240, %swap3A_241] : memref<1x1x1024xi32, #tpu.memory_space<vmem>>, vector<1x1x1024xi32>
    %swap3A_243 = vector.shape_cast %swap3A_242 : vector<1x1x1024xi32> to vector<1024xi32>
    %swap3A_244 = vector.shape_cast %select_n3A_239 : vector<1024xi32> to vector<1x1x1024xi32>
    tpu.vector_store %arg5[%swap3A, %swap3A_240, %swap3A_241], %swap3A_244 {strides = array<i32>} : memref<1x1x1024xi32, #tpu.memory_space<vmem>>, vector<1x1x1024xi32>,
    %mul3A_245 = arith.mulf %select_n3A_238, %select_n3A_238 : vector<1024xf32>
    %reduce_sum3A = vector.shape_cast %mul3A_245 : vector<1024xf32> to vector<1x1024xf32>
    %reduce_sum3A_246 = arith.constant dense<0.000000e+00> : vector<1xf32>
    %reduce_sum3A_247 = vector.multi_reduction <add>, %reduce_sum3A, %reduce_sum3A_246 [1] : vector<1x1024xf32> to vector<1xf32>
    %reduce_sum3A_248 = vector.shape_cast %reduce_sum3A_247 : vector<1xf32> to vector<1x1xf32>
    %reduce_sum3A_249 = vector.extract %reduce_sum3A_248[0, 0] : f32 from vector<1x1xf32>
    %reshape3A = vector.broadcast %reduce_sum3A_249 : f32 to vector<1x1x1xf32>
    %swap3A_250 = arith.constant 0 : index
    %swap3A_251 = arith.constant 0 : index
    %swap3A_252 = arith.constant 0 : index
    %swap3A_253 = vector.load %arg6[%swap3A_250, %swap3A_251, %swap3A_252] : memref<1x1x1xf32, #tpu.memory_space<vmem>>, vector<1x1x1xf32>
    tpu.vector_store %arg6[%swap3A_250, %swap3A_251, %swap3A_252], %reshape3A {strides = array<i32>} : memref<1x1x1xf32, #tpu.memory_space<vmem>>, vector<1x1x1xf32>,
    return
  }
  func.func @transform_0(%arg0: i32) -> (i32, i32) {
    %c0_i32 = arith.constant 0 : i32
    %c0_i32_0 = arith.constant 0 : i32
    return %arg0, %c0_i32 : i32, i32
  }
  func.func @transform_1(%arg0: i32) -> (i32, i32) {
    %c0_i32 = arith.constant 0 : i32
    %c0_i32_0 = arith.constant 0 : i32
    return %arg0, %c0_i32 : i32, i32
  }
  func.func @transform_2(%arg0: i32) -> (i32, i32) {
    %c0_i32 = arith.constant 0 : i32
    %c0_i32_0 = arith.constant 0 : i32
    %c0_i32_1 = arith.constant 0 : i32
    return %c0_i32, %c0_i32_0 : i32, i32
  }
  func.func @transform_3(%arg0: i32) -> i32 {
    %c0_i32 = arith.constant 0 : i32
    %c0_i32_0 = arith.constant 0 : i32
    return %c0_i32 : i32
  }
  func.func @transform_4(%arg0: i32) -> (i32, i32, i32) {
    %c0_i32 = arith.constant 0 : i32
    %c0_i32_0 = arith.constant 0 : i32
    %c0_i32_1 = arith.constant 0 : i32
    return %arg0, %c0_i32, %c0_i32_0 : i32, i32, i32
  }
  func.func @transform_5(%arg0: i32) -> (i32, i32, i32) {
    %c0_i32 = arith.constant 0 : i32
    %c0_i32_0 = arith.constant 0 : i32
    %c0_i32_1 = arith.constant 0 : i32
    return %arg0, %c0_i32, %c0_i32_0 : i32, i32, i32
  }
}

</mosaic_0001>

<sc_bundles>
// kernel: kernel.4.cloned.1.call-start
scs
__scs_entry_jumppad:
0x0: {  	(pc) =	sbr.rel $0x88, $3  }
0x1: {  	(tag) =	ssettag $0x0;
	lr =	simm.s32 $0x1  }
0x2: {  	[smem:$0x3F9F] =	sst lr;
	_ =	strace $0xD0000000  }
0x3: {  	_ = 	snop  }
0x4: {  	_ = 	snop  }
0x5: {  	_ = 	snop  }
0x6: {  	_ = 	snop  }
0x7: {  	_ = 	snop  }
__scs_overlays_trampoline_lowered:
0x8: {  	[smem:$0x3FAE] =	sst s0  }
0x9: {  	[smem:$0x3FAF] =	sst s1  }
0xa: {  	[smem:$0x3FB0] =	sst s2  }
0xb: {  	[smem:$0x3FB1] =	sst s3  }
0xc: {  	[smem:$0x3FB2] =	sst s4  }
0xd: {  	[smem:$0x3FB3] =	sst s5  }
0xe: {  	[smem:$0x3FB4] =	sst s6  }
0xf: {  	[smem:$0x3FB5] =	sst s7  }
0x10: {  	[smem:$0x3FB6] =	sst s8  }
0x11: {  	[smem:$0x3FB7] =	sst s9;
	s0 =	simm.s32 @!p0 $0x0  }
0x12: {  	s1 =	sld [smem:$0x3F9D];
	s0 =	simm.s32 @p0 $0x1  }
0x13: {  	[smem:$0x3FB8] =	sst s0;
	s0 =	simm.s32 @!p1 $0x0  }
0x14: {  	s2 =	sld [smem:$0x3F9C];
	s0 =	simm.s32 @p1 $0x1  }
0x15: {  	[smem:$0x3FB9] =	sst s0;
	s0 =	simm.s32 @!p2 $0x0  }
0x16: {  	s3 =	sld [smem:$0x3FDB];
	s0 =	simm.s32 @p2 $0x1  }
0x17: {  	s4 =	simm.s32 $0x1BF5;
	[smem:$0x3FBB] =	sst s0  }
0x18: {  	s0 =	sld [smem:$0x3F9E];
	_ =	swait.ge [sflag:s4], $0x0  }
0x19: {  	s7 =	sld [smem:$0x3F9F]  }
0x1a: {  	s8 =	sadd.s32 $0xFFFFE003, lr  }
0x1b: {  	s9 =	sadd.s32 $0xFFFFFEF7, lr;
	s5 =	simm.s32 $0xFFFFFFFF;
	p2 =	slt.u32 s8, $0xFFFFF086  }
0x1c: {  	p1 =	slt.u32 s9, $0xF7A;
	s5 =	simm.s32 @!p2 $0x0  }
0x1d: {  	s5 =	simm.s32 @p1 $0x1;
	p0 =	seq.s32 s7, s2  }
0x1e: {  	s7 =	smul.u32 @!p0 $0xF7A, s2;
	p2 =	seq.s32 @!p0 s5, $0x0  }
0x1f: {  	s9 =	smul.u32 $0xF7A, s1;
	s8 =	simm.s32 @!p0 $0x1BF5;
	p2 =	por !p2, p0  }
0x20: {  	[sflag:s8] =	ssyncset.s32 @!p0 $0xFFFFF086;
	s6 =	sadd.s32 @!p0 s3, s7;
	s7 =	simm.s32 @!p0 $0x108  }
0x21: {  	s3 =	sadd.s32 s3, s9;
	s6 =	sadd.s32 @!p0 $0x88, s6;
	s7 =	simm.s32 @p2 $0x1082  }
0x22: {  	[simem:s7], [sflag:s8] =	dma.local @!p0 [hbm:s6], $0xF7A  }
0x23: {  	s9 =	sor.u32 $0xD0000000, s2;
	s6 =	simm.s32 $0x108;
	_ =	swait.ge @!p0 [sflag:s8], $0x0  }
0x24: {  	s3 =	sadd.s32 $0x88, s3;
	s6 =	simm.s32 @!p1 $0x1082;
	[sflag:s4] =	ssyncset.s32 $0xFFFFF086  }
0x25: {  	[simem:s6], [sflag:s4] =	dma.local [hbm:s3], $0xF7A  }
0x26: {  	[smem:$0x3F9F] =	sst s1;
	(tag) =	ssettag s2;
	_ =	strace s9  }
0x27: {  	s1 =	sld [smem:$0x3FAF]  }
0x28: {  	s2 =	sld [smem:$0x3FB0]  }
0x29: {  	s4 =	sld [smem:$0x3FB2]  }
0x2a: {  	p0 =	seq.s32 s5, $0x0;
	s5 =	sld [smem:$0x3FB3]  }
0x2b: {  	s6 =	sld [smem:$0x3FB4]  }
0x2c: {  	s7 =	sld [smem:$0x3FB5]  }
0x2d: {  	s3 =	simm.s32 $0x108;
	s8 =	sld [smem:$0x3FB6]  }
0x2e: {  	s3 =	simm.s32 @!p0 $0x1082;
	s9 =	sld [smem:$0x3FB7]  }
0x2f: {  	lr =	sadd.s32 s0, s3;
	s0 =	sld [smem:$0x3FAE]  }
0x30: {  	s3 =	sld [smem:$0x3FB1]  }
0x31: {  	[smem:$0x3FBA] =	sst s10  }
0x32: {  	s10 =	sld [smem:$0x3FB8];
	_ =	sdelay $0x3  }
0x33: {  	p0 =	seq.s32 s10, $0x1;
	s10 =	sld [smem:$0x3FBA];
	_ =	sdelay $0x3  }
0x34: {  	[smem:$0x3FBA] =	sst s10  }
0x35: {  	s10 =	sld [smem:$0x3FB9];
	_ =	sdelay $0x3  }
0x36: {  	p1 =	seq.s32 s10, $0x1;
	s10 =	sld [smem:$0x3FBA];
	_ =	sdelay $0x3  }
0x37: {  	[smem:$0x3FBA] =	sst s10  }
0x38: {  	s10 =	sld [smem:$0x3FBB]  }
0x39: {  	_ = 	snop;
	(pc) =	sbr.ind lr, $3  }
0x3a: {  	_ = 	snop  }
0x3b: {  	_ = 	snop  }
0x3c: {  	p2 =	seq.s32 s10, $0x1;
	s10 =	sld [smem:$0x3FBA]  }
0x3d: {  	_ =	shalt  }
0x3e: {  	_ =	shalt  }
0x3f: {  	_ =	shalt  }
0x40: {  	_ =	shalt  }
0x41: {  	_ =	shalt  }
0x42: {  	_ =	shalt  }
0x43: {  	_ =	shalt  }
0x44: {  	_ =	shalt  }
0x45: {  	_ =	shalt  }
0x46: {  	_ =	shalt  }
0x47: {  	_ =	shalt  }
0x48: {  	_ =	shalt  }
0x49: {  	_ =	shalt  }
0x4a: {  	_ =	shalt  }
0x4b: {  	_ =	shalt  }
0x4c: {  	_ =	shalt  }
0x4d: {  	_ =	shalt  }
0x4e: {  	_ =	shalt  }
0x4f: {  	_ =	shalt  }
0x50: {  	_ =	shalt  }
0x51: {  	_ =	shalt  }
0x52: {  	_ =	shalt  }
0x53: {  	_ =	shalt  }
0x54: {  	_ =	shalt  }
0x55: {  	_ =	shalt  }
0x56: {  	_ =	shalt  }
0x57: {  	_ =	shalt  }
0x58: {  	_ =	shalt  }
0x59: {  	_ =	shalt  }
0x5a: {  	_ =	shalt  }
0x5b: {  	_ =	shalt  }
0x5c: {  	_ =	shalt  }
0x5d: {  	_ =	shalt  }
0x5e: {  	_ =	shalt  }
0x5f: {  	_ =	shalt  }
0x60: {  	_ =	shalt  }
0x61: {  	_ =	shalt  }
0x62: {  	_ =	shalt  }
0x63: {  	_ =	shalt  }
0x64: {  	_ =	shalt  }
0x65: {  	_ =	shalt  }
0x66: {  	_ =	shalt  }
0x67: {  	_ =	shalt  }
0x68: {  	_ =	shalt  }
0x69: {  	_ =	shalt  }
0x6a: {  	_ =	shalt  }
0x6b: {  	_ =	shalt  }
0x6c: {  	_ =	shalt  }
0x6d: {  	_ =	shalt  }
0x6e: {  	_ =	shalt  }
0x6f: {  	_ =	shalt  }
0x70: {  	_ =	shalt  }
0x71: {  	_ =	shalt  }
0x72: {  	_ =	shalt  }
0x73: {  	_ =	shalt  }
0x74: {  	_ =	shalt  }
0x75: {  	_ =	shalt  }
0x76: {  	_ =	shalt  }
0x77: {  	_ =	shalt  }
0x78: {  	_ =	shalt  }
0x79: {  	_ =	shalt  }
0x7a: {  	_ =	shalt  }
0x7b: {  	_ =	shalt  }
0x7c: {  	_ =	shalt  }
0x7d: {  	_ =	shalt  }
0x7e: {  	_ =	shalt  }
0x7f: {  	_ =	shalt  }
0x80: {  	_ =	shalt  }
0x81: {  	_ =	shalt  }
0x82: {  	_ =	shalt  }
0x83: {  	_ =	shalt  }
0x84: {  	_ =	shalt  }
0x85: {  	_ =	shalt  }
0x86: {  	_ =	shalt  }
0x87: {  	_ =	shalt  }
.Lfunc_end0:
.L_simem_size_0:
called_computation_lowered:
.L_overlay_start_0:
0x88: {  	s2 =	sld [smem:$0x3FD9]  }
0x89: {  	s3 =	sld [smem:$0x3FFE];
	_ =	sdelay $0x1  }
0x8a: {  	s1 =	srdreg.scid  }
0x8b: {  	s0 =	sand.u32 $0x1, s1  }
0x8c: {  	s14 =	sshll.u32 s0, $0xA;
	s2 =	sadd.s32 s3, s2  }
0x8d: {  	s2 =	sadd.s32 s2, s14  }
0x8e: {  	[smem:$0x3FC6] =	sst s2  }
0x8f: {  	_ = 	snop  }
0x90: {  	s2 =	sld [smem:$0x3FD0];
	_ =	sdelay $0x2  }
0x91: {  	s15 =	simm.s32 $0xA;
	s4 =	simm.s32 $0x10  }
0x92: {  	[smem:s4], [sflag:s15] =	dma.local [hbm:s2], $0x1  }
0x93: {  	_ =	swait.eq [sflag:s15], $0x1  }
0x94: {  	[sflag:s15] =	ssyncset.done $0x0  }
0x95: {  	[sflag:s15] =	ssyncadd.s32 $0xFFFFFFFF  }
0x96: {  	s16 =	sld [smem:$0x10];
	(tm) =	ssettm $0x1  }
0x97: {  	s17 =	sld [smem:$0x3FFB];
	_ =	sdelay $0x3  }
0x98: {  	_ =	strace s17  }
0x99: {  	s3 =	sld [smem:$0x3FFC];
	_ =	sdelay $0x3  }
0x9a: {  	_ =	strace s3  }
0x9b: {  	s3 =	sld [smem:$0x3FFD];
	_ =	sdelay $0x3  }
0x9c: {  	_ =	strace s3  }
0x9d: {  	_ =	strace $0x8FFFFFFF  }
0x9e: {  	s18 =	sld [smem:$0x3FDB];
	_ =	sdelay $0x1  }
0x9f: {  	s19 =	simm.s32 $_scs_section_size  }
0xa0: {  	s5 =	simm.s32 $_size__tile_overlayer_lowered;
	s6 =	simm.s32 $_tile_overlayer_lowered  }
0xa1: {  	s22 =	simm.s32 $0x1BFF;
	s21 =	sshll.u32 s6, $0x1;
	s3 =	sadd.s32 s19, s18  }
0xa2: {  	s7 =	simm.s32 $0x0;
	s20 =	sshll.u32 s5, $0x1;
	s5 =	sadd.s32 s21, s3  }
0xa3: {  	[timem:s7], [sflag:s22] =	dma.local [hbm:s5], s20  }
0xa4: {  	_ =	swait.ge [sflag:s22], s20  }
0xa5: {  	s4 =	ssub.s32 $0x0, s20;
	[sflag:s22] =	ssyncset.done $0x0  }
0xa6: {  	[sflag:s22] =	ssyncadd.s32 s4;
	_ =	sdelay $0x1  }
0xa7: {  	s23 =	simm.s32 $0x1B8B  }
0xa8: {  	_ =	swait.ge [sflag:s23], $0x1  }
0xa9: {  	[sflag:s23] =	ssyncset.done $0x0  }
0xaa: {  	s25 =	simm.s32 $0x1B8E;
	s24 =	sld [smem:$0x3FFE];
	[sflag:s23] =	ssyncadd.s32 $0xFFFFFFFF  }
0xab: {  	s26 =	simm.s32 $execute0_lowered;
	[smem:$0x3FD2] =	sst s25  }
0xac: {  	s5 =	sshll.u32 s26, $0x1;
	_ =	strace $0x80000046;
	[dreg:$0x1] =	wrdreg $0xFFFFFFFF  }
0xad: {  	s28 =	simm.s32 $_size_execute0_lowered;
	s3 =	sadd.s32 s3, s5;
	[dreg:$0x0] =	wrdreg $0x0  }
0xae: {  	s5 =	sshll.u32 s28, $0x1;
	[dreg:$0x2] =	wrdreg s3  }
0xaf: {  	[dreg:$0x3] =	wrdreg s5  }
0xb0: {  	[dreg:$0x4] =	wrdreg $0xC0  }
0xb1: {  	_ =	task [dreg:s7], $0x5FFFF  }
0xb2: {  	[dreg:$0x1] =	wrdreg $0xFFFFFFFF  }
0xb3: {  	[dreg:$0x0] =	wrdreg $0x60  }
0xb4: {  	[dreg:$0x2] =	wrdreg s16  }
0xb5: {  	[dreg:$0x3] =	wrdreg s24  }
0xb6: {  	[dreg:$0x4] =	wrdreg $0x9  }
0xb7: {  	_ =	task.clear_ibuf [dreg:s7], $0x5FFFF;
	_ =	strace $0x90000046  }
0xb8: {  	s29 =	simm.s32 $0x9;
	_ =	strace $0x80000048  }
0xb9: {  	_ =	swait.ge [sflag:s29], $0x1  }
0xba: {  	[sflag:s29] =	ssyncadd.s32 $0xFFFFFFFF  }
0xbb: {  	_ =	strace $0x90000048  }
0xbc: {  	_ =	sfence  }
0xbd: {  	s30 =	sld [smem:$0x0];
	_ =	sdelay $0x2  }
0xbe: {  	s31 =	sshll.u32 s1, $0xD;
	s1 =	sshrl.u32 s1, $0x2  }
0xbf: {  	s3 =	sand.u32 $0x4000, s31;
	s1 =	sadd.s32 s1, s30  }
0xc0: {  	s0 =	sor.u32 s3, s0;
	s1 =	sshll.u32 s1, $0x11  }
0xc1: {  	s0 =	sor.u32 s1, s0  }
0xc2: {  	s0 =	sadd.s32 $0x8F2B, s0  }
0xc3: {  	[sflag:s0] =	ssyncadd.remote.s32 $0x1  }
0xc4: {  	_ =	sfence.sel $0xFFFF  }
0xc5: {  	[dreg:$0x0] =	wrdreg $0xFFFFFFFF;
	(pc) =	sbr.abs _section_cstart, $3  }
0xc6: {  	[dreg:$0x1] =	wrdreg $0xFFFFFFFF  }
0xc7: {  	_ =	task.clear_ibuf [dreg:s7], $0x2FFFF;
	_ =	strace $0x9FFFFFFF  }
0xc8: {  	(tm) =	ssettm $0x7FFFFFFF  }
0xc9: {  	_ =	shalt  }
tec
execute0_lowered:
.L_overlay_start_1:
0x0: {  	(tag) =	ssettag $0x1  }
0x1: {  	s1 =	srdreg.scid;
	s2 =	rddreg [dreg:$0x0]  }
0x2: {  	s0 =	stileid.u32;
	s8 =	rddreg [dreg:$0x1];
	s6 =	sand.u32 $0x1, s1  }
0x3: {  	s3 =	simm.s32 $0x0;
	s4 =	sshll.u32 s0, $0x8;
	s5 =	sshll.u32 s6, $0x7  }
0x4: {  	s7 =	simm.s32 $0x1;
	[smem:$0x7FF] =	sst s3;
	s9 =	sor.u32 s5, s4  }
0x5: {  	s1 =	rddreg [dreg:$0x2];
	_ =	strace $0x80000047;
	s4 =	sshrl.u32 s9, $0x3  }
0x6: {  	s10 =	ssub.s32 $0x2, s6;
	s5 =	sadd.s32 s8, s4;
	s4 =	simm.s32 $0x2  }
0x7: {  	[tilespmem:s3], [sflag:$0x2] =	stream.linear.gather [hbm4b:s5+s3], $0x80, $0x38;
	[tilespmem:$0x2080] =	vst v63  }
0x8: {  	s6 =	simm.s32 $0x80;
	s11 =	sshrl.u32 s10, $0x1;
	_ =	swait.ge [sflag:s4], $0x80  }
0x9: {  	s9 =	sshll.u32 s9, $0x3;
	s31 =	ssub.s32 s10, s11;
	[sflag:s4] =	ssyncset.done $0x0  }
0xa: {  	s8 =	sadd.s32 s9, s8;
	s9 =	smax.u32 s31, $0x1;
	[sflag:s4] =	ssyncadd.s32 $0xFFFFFF80  }
0xb: {  	[tilespmem:s6], [sflag:$0x1] =	stream.indirect.gather [hbm4b:s2+s6], $0x40, s3, s6, $0xb8;
	[tilespmem:$0x2080] =	vst v63  }
0xc: {  	p0 =	sne.s32 s9, $0x1;
	_ =	swait.ge [sflag:s7], $0x2000  }
.Ltmp0:
0xd: {  	[sflag:s7] =	ssyncset.done $0x0;
	(pc) =	sbr.rel @!p0 .LBB2_2-.Ltmp0, $4  }
0xe: {  	s8 =	sadd.s32 $0x200, s8;
	[sflag:s7] =	ssyncadd.s32 $0xFFFFE000  }
0xf: {  	[hbm4b:s8+s3] =	stream.linear.scatter [tilespmem:s6], [sflag:$0x2], $0x2000, $0x38;
	[tilespmem:$0x2080] =	vst v63  }
0x10: {  	_ =	swait.ge [sflag:s4], $0x2000  }
0x11: {  	s9 =	sadd.s32 $0xFFFFFFFF, s9;
	[sflag:s4] =	ssyncset.done $0x0  }
.LBB2_1:
0x12: {  	p0 =	sne.s32 s9, $0x1;
	s9 =	sadd.s32 $0xFFFFFFFF, s9;
	[sflag:s4] =	ssyncadd.s32 $0xFFFFE000  }
0x13: {  	[tilespmem:s3], [sflag:$0x2] =	stream.linear.gather [hbm4b:s5+s3], $0x80, $0x38;
	[tilespmem:$0x2080] =	vst v63  }
0x14: {  	_ =	swait.ge [sflag:s4], $0x80  }
0x15: {  	[sflag:s4] =	ssyncset.done $0x0  }
0x16: {  	[sflag:s4] =	ssyncadd.s32 $0xFFFFFF80  }
0x17: {  	[tilespmem:s6], [sflag:$0x1] =	stream.indirect.gather [hbm4b:s2+s6], $0x40, s3, s6, $0xb8;
	[tilespmem:$0x2080] =	vst v63  }
0x18: {  	_ =	swait.ge [sflag:s7], $0x2000  }
.Ltmp1:
0x19: {  	[sflag:s7] =	ssyncset.done $0x0;
	(pc) =	sbr.rel @p0 .LBB2_1-.Ltmp1, $4  }
0x1a: {  	[sflag:s7] =	ssyncadd.s32 $0xFFFFE000  }
0x1b: {  	[hbm4b:s8+s3] =	stream.linear.scatter [tilespmem:s6], [sflag:$0x2], $0x2000, $0x38;
	[tilespmem:$0x2080] =	vst v63  }
0x1c: {  	_ =	swait.ge [sflag:s4], $0x2000  }
0x1d: {  	[sflag:s4] =	ssyncset.done $0x0  }
.LBB2_2:
0x1e: {  	[sflag:s4] =	ssyncadd.s32 $0xFFFFE000  }
0x1f: {  	_ =	sfence.sel $0x180000  }
0x20: {  	[bflag:$0x0] =	sbarrier.arrive $0xFFFF  }
0x21: {  	p0 =	sne.s32 s0, $0x0;
	_ =	strace $0x90000047  }
0x22: {  	s0 =	sadd.s32 @!p0 $0x100000, s1;
	[bflag:$0x2] =	sbarrier.arrive $0xFFFF  }
0x23: {  	[sflag:s0] =	ssyncadd.tile.s32 @!p0 $0x1;
	_ =	shalt  }
.Lfunc_end2:
_tile_overlayer_lowered:
.L_overlay_start_2:
0x24: {  	(tag) =	ssettag $0x2  }
0x25: {  	s0 =	rddreg [dreg:$0x0];
	s2 =	stileid.u32  }
0x26: {  	s1 =	rddreg [dreg:$0x1];
	p0 =	sne.s32 s2, $0x0  }
0x27: {  	s3 =	rddreg [dreg:$0x2];
	[bflag:$0x3] =	sbarrier.arrive $0xFFFF;
	s2 =	simm.s32 @!p0 $0x1C02  }
0x28: {  	[timem:s3], [sflag:s2] =	dma.local @!p0 [hbm:s0], s1  }
0x29: {  	s0 =	simm.s32 @!p0 $0x2  }
0x2a: {  	_ =	swait.ge @!p0 [sflag:s0], s1  }
0x2b: {  	s1 =	ssub.s32 @!p0 $0x0, s1;
	[sflag:s0] =	ssyncset.done @!p0 $0x0  }
0x2c: {  	[sflag:s0] =	ssyncadd.s32 @!p0 s1  }
0x2d: {  	[bflag:$0x3] =	sbarrier.arrive $0xFFFF  }
0x2e: {  	_ =	shalt  }

</sc_bundles>
